<compile_context>
chip_gen: v7x
topology: tpu7x:2x2x1
jax: 0.10.2.dev20260603
libtpu: 0.0.44.dev20260713+nightly
codegen_flags: <defaults>
</compile_context>

<pallas_src>
import functools

import jax
import jax.numpy as jnp
from jax import lax
from jax.experimental import pallas as pl
from jax.experimental.pallas import tpu as pltpu
from jax.experimental.pallas import tpu_sc as plsc

_R1 = 16
_R2 = 16
_M0, _M1, _M2 = 100, 100, 100
_N0, _N1, _N2 = 4, 4, 4
_CP0 = 10000
_OUT_F = 64

_B = 16384 * 26
_XROWS = _B // 128
_NC = 2
_NS = 16
_NW = _NC * _NS
_RPW = 4 * _B // _NW
_CH = 4096
_NCH = _RPW // _CH
_L = 16


def _g_matmul_kernel(c1_ref, c2_ref, out_ref):
    out_ref[...] = jnp.dot(c1_ref[...], c2_ref[...],
                           preferred_element_type=jnp.float32)


def _p_matmul_kernel(a_ref, g_ref, out_ref):
    out_ref[...] = jnp.dot(a_ref[...], g_ref[...],
                           preferred_element_type=jnp.float32)


def _idx_kernel(x_ref, out_ref):
    v = x_ref[...]
    i0 = v // _CP0
    r = i0 * (4 * _CP0) + (v - i0 * _CP0)
    out_ref[0] = r
    out_ref[1] = r + _CP0
    out_ref[2] = r + 2 * _CP0
    out_ref[3] = r + 3 * _CP0


def _make_sc_lookup():
    mesh = plsc.VectorSubcoreMesh(core_axis_name="c", subcore_axis_name="s")

    @functools.partial(
        pl.kernel,
        mesh=mesh,
        compiler_params=pltpu.CompilerParams(use_tc_tiling_on_sc=False),
        out_type=jax.ShapeDtypeStruct((4 * _B, _L), jnp.float32),
        scratch_types=[
            pltpu.VMEM((_CH,), jnp.int32),
            pltpu.VMEM((_CH, _L), jnp.float32),
            pltpu.SemaphoreType.DMA,
        ],
    )
    def sc_lookup(ridx_hbm, tab_hbm, out_hbm, idx_v, buf, sem):
        wid = lax.axis_index("s") * _NC + lax.axis_index("c")
        base = wid * _RPW

        def chunk_body(k, carry):
            cbase = base + k * _CH
            pltpu.sync_copy(ridx_hbm.at[pl.ds(cbase, _CH)], idx_v)
            pltpu.async_copy(tab_hbm.at[idx_v], buf, sem).wait()
            pltpu.sync_copy(buf, out_hbm.at[pl.ds(cbase, _CH)])
            return carry

        lax.fori_loop(0, _NCH, chunk_body, 0)

    return sc_lookup


_sc_lookup = _make_sc_lookup()


def kernel(x, core0, core1, core2):
    xshape = list(x.shape)
    xf = jnp.reshape(x, (-1,)).astype(jnp.int32)

    c1m = jnp.reshape(core1, (_R1 * _M1 * _N1, _R2))
    c2m = jnp.reshape(core2, (_R2, _M2 * _N2))
    gp = pl.pallas_call(
        _g_matmul_kernel,
        out_shape=jax.ShapeDtypeStruct((_R1 * _M1 * _N1, _M2 * _N2),
                                       jnp.float32),
    )(c1m, c2m)

    g5 = jnp.reshape(
        jnp.transpose(jnp.reshape(gp, (_R1, _M1, _N1, _M2, _N2)),
                      (0, 1, 3, 2, 4)),
        (_R1, _M1 * _M2 * _N1 * _N2))

    am = jnp.reshape(core0, (_M0 * _N0, _R1))
    ncols = _M1 * _M2 * _N1 * _N2
    nblk = 50
    blk = ncols // nblk
    p = pl.pallas_call(
        _p_matmul_kernel,
        grid=(nblk,),
        in_specs=[
            pl.BlockSpec((_M0 * _N0, _R1), lambda j: (0, 0)),
            pl.BlockSpec((_R1, blk), lambda j: (0, j)),
        ],
        out_specs=pl.BlockSpec((_M0 * _N0, blk), lambda j: (0, j)),
        out_shape=jax.ShapeDtypeStruct((_M0 * _N0, ncols), jnp.float32),
    )(am, g5)

    tab = jnp.reshape(p, (_M0 * _N0 * _M1 * _M2, _L))

    x2 = jnp.reshape(xf, (_XROWS, 128))
    ridx = pl.pallas_call(
        _idx_kernel,
        out_shape=jax.ShapeDtypeStruct((4, _XROWS, 128), jnp.int32),
    )(x2)
    ridx_flat = jnp.reshape(ridx, (4 * _B,))

    rows = _sc_lookup(ridx_flat, tab)
    out = jnp.transpose(jnp.reshape(rows, (4, _B, _L)), (1, 0, 2))
    return jnp.reshape(out, tuple(xshape) + (_OUT_F,))

# --- scband reference (transcript-rebuilt; emitter-appended) ---
"""Pipeline reference for scband-tensorized-embedding-369367188184 (READ-ONLY COPY).

The authoritative reference and input builder live on the scoring server;
editing this copy changes nothing except your own understanding.
"""

import jax, jax.numpy as jnp
import numpy as np

VOCAB = 1000000
SHAPE_M = [100, 100, 100]
SHAPE_N = [4, 4, 4]
RANKS = [1, 16, 16, 1]
OUT_FEATURES = 64
CUM_PROD = [10000, 100, 1]


def setup_inputs(seed: int = 0) -> dict:
    key = jax.random.key(seed)
    k1, k2, k3, k4 = jax.random.split(key, 4)
    x = jax.random.randint(k1, (16384, 26), 0, VOCAB).astype(jnp.int64)
    # TT cores: core_k has shape [r_{k-1}, m_k, n_k, r_k]; init so that the
    # reconstructed rows have target stddev ~1.0 (target_sdv in the config).
    # per-core sigma = (target_sdv^2 / prod(ranks[1:-1]))**(1/(2*K))
    sigma = (1.0 / (16.0 * 16.0)) ** (1.0 / 6.0)
    core0 = jax.random.normal(k2, (1, 100, 4, 16), dtype=jnp.float32) * sigma
    core1 = jax.random.normal(k3, (16, 100, 4, 16), dtype=jnp.float32) * sigma
    core2 = jax.random.normal(k4, (16, 100, 4, 1), dtype=jnp.float32) * sigma
    return {"x": x, "core0": core0, "core1": core1, "core2": core2}


def reference(x, core0, core1, core2):
    xshape = list(x.shape)
    xf = jnp.reshape(x, (-1,))
    # mixed-radix decomposition of the row index using cum_prod of shape[0]
    i0 = (xf // CUM_PROD[0]) % SHAPE_M[0]
    i1 = (xf // CUM_PROD[1]) % SHAPE_M[1]
    i2 = (xf // CUM_PROD[2]) % SHAPE_M[2]
    # tensorized_lookup for TensorTrainMatrix: gather one slice per core,
    # then contract over the TT ranks.
    res = core0[0, i0]                 # [B, n0, r1]
    c1 = core1[:, i1]                  # [r1, B, n1, r2]
    res = jnp.einsum('bar,rbcs->bacs', res, c1)   # [B, n0, n1, r2]
    c2 = core2[:, i2]                  # [r2, B, n2, r3]
    res = jnp.einsum('bacr,rbds->bacds', res, c2)  # [B, n0, n1, n2, 1]
    rows = jnp.reshape(res, (xf.shape[0], -1))     # [B, 64]
    return jnp.reshape(rows, tuple(xshape) + (OUT_FEATURES,))

if __name__ == "__main__":
    import jax
    _d = setup_inputs()
    print(jax.jit(kernel)(*tuple(_d.values())))

</pallas_src>

<mosaic_0001>
#map = affine_map<(d0, d1) -> (0)>
#map1 = affine_map<(d0, d1) -> (0, 0)>
module attributes {stable_mosaic.version = 14 : i64} {
  func.func @sc_lookup(%arg0: i32, %arg1: i32, %arg2: memref<1703936xi32, #tpu.memory_space<hbm>>, %arg3: memref<4000000x16xf32, #tpu.memory_space<hbm>>, %arg4: memref<1703936x16xf32, #tpu.memory_space<hbm>>, %arg5: memref<4096xi32, #tpu.memory_space<vmem>>, %arg6: memref<4096x16xf32, #tpu.memory_space<vmem>>, %arg7: memref<!tpu.dma_semaphore, #tpu.memory_space<semaphore_mem>>) attributes {dimension_semantics = [#tpu.dimension_semantics<core_parallel>, #tpu.dimension_semantics<subcore_parallel>], iteration_bounds = array<i64: 2, 16>, scalar_prefetch = 0 : i64, scratch_operands = 3 : i64, tpu.core_type = #tpu.core_type<sc_vector_subcore>, window_params = [{transform_indices = #map}, {transform_indices = #map1}, {transform_indices = #map1}]} {
    %mul3A = arith.constant 2 : i32
    %mul3A_0 = arith.muli %arg1, %mul3A : i32
    %add3A = arith.addi %mul3A_0, %arg0 : i32
    %mul3A_1 = arith.constant 53248 : i32
    %mul3A_2 = arith.muli %add3A, %mul3A_1 : i32
    %scan3A = arith.constant 0 : i32
    %scan3A_3 = arith.constant 0 : i32
    %scan3A_4 = arith.constant 13 : i32
    %scan3A_5 = arith.addi %scan3A_3, %scan3A_4 : i32
    %scan3A_6 = arith.constant 1 : i32
    scf.for %scan3A_8 = %scan3A_3 to %scan3A_5 step %scan3A_6  : i32 {
      %mul3A_9 = arith.constant 4096 : i32
      %mul3A_10 = arith.muli %scan3A_8, %mul3A_9 : i32
      %add3A_11 = arith.addi %mul3A_2, %mul3A_10 : i32
      "tpu.region"() ({
        %run_scoped3A = tpu.sem_alloc : memref<!tpu.dma_semaphore, #tpu.memory_space<semaphore_mem>>
        %dma_start3A_16 = tpu.memref_slice %arg2[%add3A_11] : memref<1703936xi32, #tpu.memory_space<hbm>> -> memref<4096xi32, #tpu.memory_space<hbm>>
        %dma_start3A_17 = tpu.memref_slice %arg2[%add3A_11] : memref<1703936xi32, #tpu.memory_space<hbm>> -> memref<4096xi32, #tpu.memory_space<hbm>>
        tpu.enqueue_dma source(%dma_start3A_17 : memref<4096xi32, #tpu.memory_space<hbm>>) target(%arg5 : memref<4096xi32, #tpu.memory_space<vmem>>) target_semaphore(%run_scoped3A : memref<!tpu.dma_semaphore, #tpu.memory_space<semaphore_mem>>)
        %dma_wait3A_18 = tpu.memref_slice %arg2[%add3A_11] : memref<1703936xi32, #tpu.memory_space<hbm>> -> memref<4096xi32, #tpu.memory_space<hbm>>
        %dma_wait3A_19 = tpu.memref_slice %arg2[%add3A_11] : memref<1703936xi32, #tpu.memory_space<hbm>> -> memref<4096xi32, #tpu.memory_space<hbm>>
        tpu.wait_dma2 semaphore(%run_scoped3A : memref<!tpu.dma_semaphore, #tpu.memory_space<semaphore_mem>>) src(%dma_wait3A_19 : memref<4096xi32, #tpu.memory_space<hbm>>) dst(%arg5 : memref<4096xi32, #tpu.memory_space<vmem>>)
        tpu.yield
      }) : () -> ()
      %dma_start3A = arith.constant 0 : i32
      %dma_start3A_12 = arith.constant 0 : i32
      %dma_start3A_13 = tpu.memref_slice %arg3[%dma_start3A, %dma_start3A_12] : memref<4000000x16xf32, #tpu.memory_space<hbm>> -> memref<4000000x16xf32, #tpu.memory_space<hbm>>
      tpu.enqueue_indirect_dma source(%dma_start3A_13 : memref<4000000x16xf32, #tpu.memory_space<hbm>>) target(%arg6 : memref<4096x16xf32, #tpu.memory_space<vmem>>) offsets(%arg5 : memref<4096xi32, #tpu.memory_space<vmem>>) semaphore(%arg7 : memref<!tpu.dma_semaphore, #tpu.memory_space<semaphore_mem>>)
      %dma_wait3A = arith.constant 0 : i32
      %dma_wait3A_14 = arith.constant 0 : i32
      %dma_wait3A_15 = tpu.memref_slice %arg3[%dma_wait3A, %dma_wait3A_14] : memref<4000000x16xf32, #tpu.memory_space<hbm>> -> memref<4000000x16xf32, #tpu.memory_space<hbm>>
      tpu.wait_indirect_dma semaphore(%arg7 : memref<!tpu.dma_semaphore, #tpu.memory_space<semaphore_mem>>) src(%dma_wait3A_15 : memref<4000000x16xf32, #tpu.memory_space<hbm>>) dst(%arg6 : memref<4096x16xf32, #tpu.memory_space<vmem>>)
      "tpu.region"() ({
        %run_scoped3A = tpu.sem_alloc : memref<!tpu.dma_semaphore, #tpu.memory_space<semaphore_mem>>
        %dma_start3A_16 = arith.constant 0 : i32
        %dma_start3A_17 = tpu.memref_slice %arg4[%add3A_11, %dma_start3A_16] : memref<1703936x16xf32, #tpu.memory_space<hbm>> -> memref<4096x16xf32, #tpu.memory_space<hbm>>
        %dma_start3A_18 = arith.constant 0 : i32
        %dma_start3A_19 = tpu.memref_slice %arg4[%add3A_11, %dma_start3A_18] : memref<1703936x16xf32, #tpu.memory_space<hbm>> -> memref<4096x16xf32, #tpu.memory_space<hbm>>
        tpu.enqueue_dma source(%arg6 : memref<4096x16xf32, #tpu.memory_space<vmem>>) target(%dma_start3A_19 : memref<4096x16xf32, #tpu.memory_space<hbm>>) target_semaphore(%run_scoped3A : memref<!tpu.dma_semaphore, #tpu.memory_space<semaphore_mem>>)
        %dma_wait3A_20 = arith.constant 0 : i32
        %dma_wait3A_21 = tpu.memref_slice %arg4[%add3A_11, %dma_wait3A_20] : memref<1703936x16xf32, #tpu.memory_space<hbm>> -> memref<4096x16xf32, #tpu.memory_space<hbm>>
        %dma_wait3A_22 = arith.constant 0 : i32
        %dma_wait3A_23 = tpu.memref_slice %arg4[%add3A_11, %dma_wait3A_22] : memref<1703936x16xf32, #tpu.memory_space<hbm>> -> memref<4096x16xf32, #tpu.memory_space<hbm>>
        tpu.wait_dma2 semaphore(%run_scoped3A : memref<!tpu.dma_semaphore, #tpu.memory_space<semaphore_mem>>) src(%arg6 : memref<4096x16xf32, #tpu.memory_space<vmem>>) dst(%dma_wait3A_23 : memref<4096x16xf32, #tpu.memory_space<hbm>>)
        tpu.yield
      }) : () -> ()
    }
    %scan3A_7 = arith.constant 13 : i32
    return
  }
}

module attributes {stable_mosaic.version = 14 : i64} {
  func.func @_idx_kernel(%arg0: memref<3328x128xi32, #tpu.memory_space<vmem>>, %arg1: memref<4x3328x128xi32, #tpu.memory_space<vmem>>) attributes {dimension_semantics = [], scalar_prefetch = 0 : i64, scratch_operands = 0 : i64, tpu.core_type = #tpu.core_type<tc>} {
    %get3A = arith.constant 0 : index
    %get3A_0 = arith.constant 0 : index
    %get3A_1 = vector.load %arg0[%get3A, %get3A_0] : memref<3328x128xi32, #tpu.memory_space<vmem>>, vector<3328x128xi32>
    %jit3A = arith.constant 10000 : i32
    %div3A = vector.broadcast %jit3A : i32 to vector<3328x128xi32>
    %div3A_2 = arith.divsi %get3A_1, %div3A : vector<3328x128xi32>
    %sign3A = arith.constant 0 : i32
    %sign3A_3 = vector.broadcast %sign3A : i32 to vector<3328x128xi32>
    %sign3A_4 = arith.cmpi sgt, %get3A_1, %sign3A_3 : vector<3328x128xi32>
    %sign3A_5 = arith.extui %sign3A_4 : vector<3328x128xi1> to vector<3328x128xi32>
    %sign3A_6 = arith.constant 0 : i32
    %sign3A_7 = vector.broadcast %sign3A_6 : i32 to vector<3328x128xi32>
    %sign3A_8 = arith.cmpi slt, %get3A_1, %sign3A_7 : vector<3328x128xi32>
    %sign3A_9 = arith.extui %sign3A_8 : vector<3328x128xi1> to vector<3328x128xi32>
    %sign3A_10 = arith.subi %sign3A_5, %sign3A_9 : vector<3328x128xi32>
    %sign3A_11 = arith.constant 0 : i32
    %sign3A_12 = arith.cmpi sgt, %jit3A, %sign3A_11 : i32
    %sign3A_13 = arith.extui %sign3A_12 : i1 to i32
    %sign3A_14 = arith.constant 0 : i32
    %sign3A_15 = arith.cmpi slt, %jit3A, %sign3A_14 : i32
    %sign3A_16 = arith.extui %sign3A_15 : i1 to i32
    %sign3A_17 = arith.subi %sign3A_13, %sign3A_16 : i32
    %ne3A = vector.broadcast %sign3A_17 : i32 to vector<3328x128xi32>
    %ne3A_18 = arith.cmpi ne, %sign3A_10, %ne3A : vector<3328x128xi32>
    %rem3A = vector.broadcast %jit3A : i32 to vector<3328x128xi32>
    %rem3A_19 = arith.remsi %get3A_1, %rem3A : vector<3328x128xi32>
    %ne3A_20 = arith.constant 0 : i32
    %ne3A_21 = vector.broadcast %ne3A_20 : i32 to vector<3328x128xi32>
    %ne3A_22 = arith.cmpi ne, %rem3A_19, %ne3A_21 : vector<3328x128xi32>
    %and3A = arith.andi %ne3A_18, %ne3A_22 : vector<3328x128xi1>
    %sub3A = arith.constant 1 : i32
    %sub3A_23 = vector.broadcast %sub3A : i32 to vector<3328x128xi32>
    %sub3A_24 = arith.subi %div3A_2, %sub3A_23 : vector<3328x128xi32>
    %select_n3A = arith.select %and3A, %sub3A_24, %div3A_2 : vector<3328x128xi1>, vector<3328x128xi32>
    %mul3A = arith.constant 40000 : i32
    %mul3A_25 = vector.broadcast %mul3A : i32 to vector<3328x128xi32>
    %mul3A_26 = arith.muli %select_n3A, %mul3A_25 : vector<3328x128xi32>
    %mul3A_27 = arith.constant 10000 : i32
    %mul3A_28 = vector.broadcast %mul3A_27 : i32 to vector<3328x128xi32>
    %mul3A_29 = arith.muli %select_n3A, %mul3A_28 : vector<3328x128xi32>
    %sub3A_30 = arith.subi %get3A_1, %mul3A_29 : vector<3328x128xi32>
    %add3A = arith.addi %mul3A_26, %sub3A_30 : vector<3328x128xi32>
    %swap3A = arith.constant 0 : index
    %swap3A_31 = arith.constant 0 : index
    %swap3A_32 = arith.constant 0 : index
    %swap3A_33 = vector.load %arg1[%swap3A, %swap3A_31, %swap3A_32] : memref<4x3328x128xi32, #tpu.memory_space<vmem>>, vector<1x3328x128xi32>
    %swap3A_34 = vector.shape_cast %swap3A_33 : vector<1x3328x128xi32> to vector<3328x128xi32>
    %swap3A_35 = vector.shape_cast %add3A : vector<3328x128xi32> to vector<1x3328x128xi32>
    tpu.vector_store %arg1[%swap3A, %swap3A_31, %swap3A_32], %swap3A_35 {strides = array<i32>} : memref<4x3328x128xi32, #tpu.memory_space<vmem>>, vector<1x3328x128xi32>,
    %add3A_36 = arith.constant 10000 : i32
    %add3A_37 = vector.broadcast %add3A_36 : i32 to vector<3328x128xi32>
    %add3A_38 = arith.addi %add3A, %add3A_37 : vector<3328x128xi32>
    %swap3A_39 = arith.constant 1 : index
    %swap3A_40 = arith.constant 0 : index
    %swap3A_41 = arith.constant 0 : index
    %swap3A_42 = vector.load %arg1[%swap3A_39, %swap3A_40, %swap3A_41] : memref<4x3328x128xi32, #tpu.memory_space<vmem>>, vector<1x3328x128xi32>
    %swap3A_43 = vector.shape_cast %swap3A_42 : vector<1x3328x128xi32> to vector<3328x128xi32>
    %swap3A_44 = vector.shape_cast %add3A_38 : vector<3328x128xi32> to vector<1x3328x128xi32>
    tpu.vector_store %arg1[%swap3A_39, %swap3A_40, %swap3A_41], %swap3A_44 {strides = array<i32>} : memref<4x3328x128xi32, #tpu.memory_space<vmem>>, vector<1x3328x128xi32>,
    %add3A_45 = arith.constant 20000 : i32
    %add3A_46 = vector.broadcast %add3A_45 : i32 to vector<3328x128xi32>
    %add3A_47 = arith.addi %add3A, %add3A_46 : vector<3328x128xi32>
    %swap3A_48 = arith.constant 2 : index
    %swap3A_49 = arith.constant 0 : index
    %swap3A_50 = arith.constant 0 : index
    %swap3A_51 = vector.load %arg1[%swap3A_48, %swap3A_49, %swap3A_50] : memref<4x3328x128xi32, #tpu.memory_space<vmem>>, vector<1x3328x128xi32>
    %swap3A_52 = vector.shape_cast %swap3A_51 : vector<1x3328x128xi32> to vector<3328x128xi32>
    %swap3A_53 = vector.shape_cast %add3A_47 : vector<3328x128xi32> to vector<1x3328x128xi32>
    tpu.vector_store %arg1[%swap3A_48, %swap3A_49, %swap3A_50], %swap3A_53 {strides = array<i32>} : memref<4x3328x128xi32, #tpu.memory_space<vmem>>, vector<1x3328x128xi32>,
    %add3A_54 = arith.constant 30000 : i32
    %add3A_55 = vector.broadcast %add3A_54 : i32 to vector<3328x128xi32>
    %add3A_56 = arith.addi %add3A, %add3A_55 : vector<3328x128xi32>
    %swap3A_57 = arith.constant 3 : index
    %swap3A_58 = arith.constant 0 : index
    %swap3A_59 = arith.constant 0 : index
    %swap3A_60 = vector.load %arg1[%swap3A_57, %swap3A_58, %swap3A_59] : memref<4x3328x128xi32, #tpu.memory_space<vmem>>, vector<1x3328x128xi32>
    %swap3A_61 = vector.shape_cast %swap3A_60 : vector<1x3328x128xi32> to vector<3328x128xi32>
    %swap3A_62 = vector.shape_cast %add3A_56 : vector<3328x128xi32> to vector<1x3328x128xi32>
    tpu.vector_store %arg1[%swap3A_57, %swap3A_58, %swap3A_59], %swap3A_62 {strides = array<i32>} : memref<4x3328x128xi32, #tpu.memory_space<vmem>>, vector<1x3328x128xi32>,
    return
  }
}

module attributes {stable_mosaic.version = 14 : i64} {
  func.func @_g_matmul_kernel(%arg0: memref<6400x16xf32, #tpu.memory_space<vmem>>, %arg1: memref<16x400xf32, #tpu.memory_space<vmem>>, %arg2: memref<6400x400xf32, #tpu.memory_space<vmem>>) attributes {dimension_semantics = [], scalar_prefetch = 0 : i64, scratch_operands = 0 : i64, tpu.core_type = #tpu.core_type<tc>} {
    %get3A = arith.constant 0 : index
    %get3A_0 = arith.constant 0 : index
    %get3A_1 = vector.load %arg0[%get3A, %get3A_0] : memref<6400x16xf32, #tpu.memory_space<vmem>>, vector<6400x16xf32>
    %get3A_2 = arith.constant 0 : index
    %get3A_3 = arith.constant 0 : index
    %get3A_4 = vector.load %arg1[%get3A_2, %get3A_3] : memref<16x400xf32, #tpu.memory_space<vmem>>, vector<16x400xf32>
    %dot_general3A = arith.constant dense<0.000000e+00> : vector<6400x400xf32>
    %dot_general3A_5 = tpu.matmul %get3A_1, %get3A_4, %dot_general3A {dimension_numbers = #tpu.dot_dimension_numbers<[1], [0], [0], [1], [0, 0, 1, 1], [], []>, transpose_lhs_hint = false} : vector<6400x16xf32>, vector<16x400xf32>, vector<6400x400xf32> -> vector<6400x400xf32>
    %swap3A = arith.constant 0 : index
    %swap3A_6 = arith.constant 0 : index
    %swap3A_7 = vector.load %arg2[%swap3A, %swap3A_6] : memref<6400x400xf32, #tpu.memory_space<vmem>>, vector<6400x400xf32>
    tpu.vector_store %arg2[%swap3A, %swap3A_6], %dot_general3A_5 {strides = array<i32>} : memref<6400x400xf32, #tpu.memory_space<vmem>>, vector<6400x400xf32>,
    return
  }
}

module attributes {stable_mosaic.version = 14 : i64} {
  func.func @_p_matmul_kernel(%arg0: i32, %arg1: memref<400x16xf32, #tpu.memory_space<vmem>>, %arg2: memref<16x3200xf32, #tpu.memory_space<vmem>>, %arg3: memref<400x3200xf32, #tpu.memory_space<vmem>>) attributes {dimension_semantics = [#tpu.dimension_semantics<arbitrary>], iteration_bounds = array<i64: 50>, scalar_prefetch = 0 : i64, scratch_operands = 0 : i64, tpu.core_type = #tpu.core_type<tc>, window_params = [{pipeline_mode = #tpu.pipeline_mode<synchronous>, transform_indices = @transform_0, window_bounds = array<i64: 400, 16>}, {transform_indices = @transform_1, window_bounds = array<i64: 16, 3200>}, {transform_indices = @transform_2, window_bounds = array<i64: 400, 3200>}]} {
    %get3A = arith.constant 0 : index
    %get3A_0 = arith.constant 0 : index
    %get3A_1 = vector.load %arg1[%get3A, %get3A_0] : memref<400x16xf32, #tpu.memory_space<vmem>>, vector<400x16xf32>
    %get3A_2 = arith.constant 0 : index
    %get3A_3 = arith.constant 0 : index
    %get3A_4 = vector.load %arg2[%get3A_2, %get3A_3] : memref<16x3200xf32, #tpu.memory_space<vmem>>, vector<16x3200xf32>
    %dot_general3A = arith.constant dense<0.000000e+00> : vector<400x3200xf32>
    %dot_general3A_5 = tpu.matmul %get3A_1, %get3A_4, %dot_general3A {dimension_numbers = #tpu.dot_dimension_numbers<[1], [0], [0], [1], [0, 0, 1, 1], [], []>, transpose_lhs_hint = false} : vector<400x16xf32>, vector<16x3200xf32>, vector<400x3200xf32> -> vector<400x3200xf32>
    %swap3A = arith.constant 0 : index
    %swap3A_6 = arith.constant 0 : index
    %swap3A_7 = vector.load %arg3[%swap3A, %swap3A_6] : memref<400x3200xf32, #tpu.memory_space<vmem>>, vector<400x3200xf32>
    tpu.vector_store %arg3[%swap3A, %swap3A_6], %dot_general3A_5 {strides = array<i32>} : memref<400x3200xf32, #tpu.memory_space<vmem>>, vector<400x3200xf32>,
    return
  }
  func.func @transform_0(%arg0: i32) -> (i32, i32) {
    %c0_i32 = arith.constant 0 : i32
    %c0_i32_0 = arith.constant 0 : i32
    %c0_i32_1 = arith.constant 0 : i32
    return %c0_i32, %c0_i32_0 : i32, i32
  }
  func.func @transform_1(%arg0: i32) -> (i32, i32) {
    %c0_i32 = arith.constant 0 : i32
    %c0_i32_0 = arith.constant 0 : i32
    return %c0_i32, %arg0 : i32, i32
  }
  func.func @transform_2(%arg0: i32) -> (i32, i32) {
    %c0_i32 = arith.constant 0 : i32
    %c0_i32_0 = arith.constant 0 : i32
    return %c0_i32, %arg0 : i32, i32
  }
}

</mosaic_0001>

<sc_bundles>
// kernel: kernel.6.cloned.1.call-start
scs
__scs_entry_jumppad:
0x0: {  	(pc) =	sbr.rel $0x88, $3  }
0x1: {  	(tag) =	ssettag $0x0;
	lr =	simm.s32 $0x1  }
0x2: {  	[smem:$0x3F9D] =	sst lr;
	_ =	strace $0xD0000000  }
0x3: {  	_ = 	snop  }
0x4: {  	_ = 	snop  }
0x5: {  	_ = 	snop  }
0x6: {  	_ = 	snop  }
0x7: {  	_ = 	snop  }
__scs_overlays_trampoline_lowered:
0x8: {  	[smem:$0x3FAC] =	sst s0  }
0x9: {  	[smem:$0x3FAD] =	sst s1  }
0xa: {  	[smem:$0x3FAE] =	sst s2  }
0xb: {  	[smem:$0x3FAF] =	sst s3  }
0xc: {  	[smem:$0x3FB0] =	sst s4  }
0xd: {  	[smem:$0x3FB1] =	sst s5  }
0xe: {  	[smem:$0x3FB2] =	sst s6  }
0xf: {  	[smem:$0x3FB3] =	sst s7  }
0x10: {  	[smem:$0x3FB4] =	sst s8  }
0x11: {  	[smem:$0x3FB5] =	sst s9;
	s0 =	simm.s32 @!p0 $0x0  }
0x12: {  	s1 =	sld [smem:$0x3F9B];
	s0 =	simm.s32 @p0 $0x1  }
0x13: {  	[smem:$0x3FB6] =	sst s0;
	s0 =	simm.s32 @!p1 $0x0  }
0x14: {  	s2 =	sld [smem:$0x3F9A];
	s0 =	simm.s32 @p1 $0x1  }
0x15: {  	[smem:$0x3FB7] =	sst s0;
	s0 =	simm.s32 @!p2 $0x0  }
0x16: {  	s3 =	sld [smem:$0x3FDB];
	s0 =	simm.s32 @p2 $0x1  }
0x17: {  	s4 =	simm.s32 $0x1BF5;
	[smem:$0x3FB9] =	sst s0  }
0x18: {  	s0 =	sld [smem:$0x3F9C];
	_ =	swait.ge [sflag:s4], $0x0  }
0x19: {  	s7 =	sld [smem:$0x3F9D]  }
0x1a: {  	s8 =	sadd.s32 $0xFFFFE003, lr  }
0x1b: {  	s9 =	sadd.s32 $0xFFFFFEF7, lr;
	s5 =	simm.s32 $0xFFFFFFFF;
	p2 =	slt.u32 s8, $0xFFFFF086  }
0x1c: {  	p1 =	slt.u32 s9, $0xF7A;
	s5 =	simm.s32 @!p2 $0x0  }
0x1d: {  	s5 =	simm.s32 @p1 $0x1;
	p0 =	seq.s32 s7, s2  }
0x1e: {  	s7 =	smul.u32 @!p0 $0xF7A, s2;
	p2 =	seq.s32 @!p0 s5, $0x0  }
0x1f: {  	s9 =	smul.u32 $0xF7A, s1;
	s8 =	simm.s32 @!p0 $0x1BF5;
	p2 =	por !p2, p0  }
0x20: {  	[sflag:s8] =	ssyncset.s32 @!p0 $0xFFFFF086;
	s6 =	sadd.s32 @!p0 s3, s7;
	s7 =	simm.s32 @!p0 $0x108  }
0x21: {  	s3 =	sadd.s32 s3, s9;
	s6 =	sadd.s32 @!p0 $0x88, s6;
	s7 =	simm.s32 @p2 $0x1082  }
0x22: {  	[simem:s7], [sflag:s8] =	dma.local @!p0 [hbm:s6], $0xF7A  }
0x23: {  	s9 =	sor.u32 $0xD0000000, s2;
	s6 =	simm.s32 $0x108;
	_ =	swait.ge @!p0 [sflag:s8], $0x0  }
0x24: {  	s3 =	sadd.s32 $0x88, s3;
	s6 =	simm.s32 @!p1 $0x1082;
	[sflag:s4] =	ssyncset.s32 $0xFFFFF086  }
0x25: {  	[simem:s6], [sflag:s4] =	dma.local [hbm:s3], $0xF7A  }
0x26: {  	[smem:$0x3F9D] =	sst s1;
	(tag) =	ssettag s2;
	_ =	strace s9  }
0x27: {  	s1 =	sld [smem:$0x3FAD]  }
0x28: {  	s2 =	sld [smem:$0x3FAE]  }
0x29: {  	s4 =	sld [smem:$0x3FB0]  }
0x2a: {  	p0 =	seq.s32 s5, $0x0;
	s5 =	sld [smem:$0x3FB1]  }
0x2b: {  	s6 =	sld [smem:$0x3FB2]  }
0x2c: {  	s7 =	sld [smem:$0x3FB3]  }
0x2d: {  	s3 =	simm.s32 $0x108;
	s8 =	sld [smem:$0x3FB4]  }
0x2e: {  	s3 =	simm.s32 @!p0 $0x1082;
	s9 =	sld [smem:$0x3FB5]  }
0x2f: {  	lr =	sadd.s32 s0, s3;
	s0 =	sld [smem:$0x3FAC]  }
0x30: {  	s3 =	sld [smem:$0x3FAF]  }
0x31: {  	[smem:$0x3FB8] =	sst s10  }
0x32: {  	s10 =	sld [smem:$0x3FB6];
	_ =	sdelay $0x3  }
0x33: {  	p0 =	seq.s32 s10, $0x1;
	s10 =	sld [smem:$0x3FB8];
	_ =	sdelay $0x3  }
0x34: {  	[smem:$0x3FB8] =	sst s10  }
0x35: {  	s10 =	sld [smem:$0x3FB7];
	_ =	sdelay $0x3  }
0x36: {  	p1 =	seq.s32 s10, $0x1;
	s10 =	sld [smem:$0x3FB8];
	_ =	sdelay $0x3  }
0x37: {  	[smem:$0x3FB8] =	sst s10  }
0x38: {  	s10 =	sld [smem:$0x3FB9]  }
0x39: {  	_ = 	snop;
	(pc) =	sbr.ind lr, $3  }
0x3a: {  	_ = 	snop  }
0x3b: {  	_ = 	snop  }
0x3c: {  	p2 =	seq.s32 s10, $0x1;
	s10 =	sld [smem:$0x3FB8]  }
0x3d: {  	_ =	shalt  }
0x3e: {  	_ =	shalt  }
0x3f: {  	_ =	shalt  }
0x40: {  	_ =	shalt  }
0x41: {  	_ =	shalt  }
0x42: {  	_ =	shalt  }
0x43: {  	_ =	shalt  }
0x44: {  	_ =	shalt  }
0x45: {  	_ =	shalt  }
0x46: {  	_ =	shalt  }
0x47: {  	_ =	shalt  }
0x48: {  	_ =	shalt  }
0x49: {  	_ =	shalt  }
0x4a: {  	_ =	shalt  }
0x4b: {  	_ =	shalt  }
0x4c: {  	_ =	shalt  }
0x4d: {  	_ =	shalt  }
0x4e: {  	_ =	shalt  }
0x4f: {  	_ =	shalt  }
0x50: {  	_ =	shalt  }
0x51: {  	_ =	shalt  }
0x52: {  	_ =	shalt  }
0x53: {  	_ =	shalt  }
0x54: {  	_ =	shalt  }
0x55: {  	_ =	shalt  }
0x56: {  	_ =	shalt  }
0x57: {  	_ =	shalt  }
0x58: {  	_ =	shalt  }
0x59: {  	_ =	shalt  }
0x5a: {  	_ =	shalt  }
0x5b: {  	_ =	shalt  }
0x5c: {  	_ =	shalt  }
0x5d: {  	_ =	shalt  }
0x5e: {  	_ =	shalt  }
0x5f: {  	_ =	shalt  }
0x60: {  	_ =	shalt  }
0x61: {  	_ =	shalt  }
0x62: {  	_ =	shalt  }
0x63: {  	_ =	shalt  }
0x64: {  	_ =	shalt  }
0x65: {  	_ =	shalt  }
0x66: {  	_ =	shalt  }
0x67: {  	_ =	shalt  }
0x68: {  	_ =	shalt  }
0x69: {  	_ =	shalt  }
0x6a: {  	_ =	shalt  }
0x6b: {  	_ =	shalt  }
0x6c: {  	_ =	shalt  }
0x6d: {  	_ =	shalt  }
0x6e: {  	_ =	shalt  }
0x6f: {  	_ =	shalt  }
0x70: {  	_ =	shalt  }
0x71: {  	_ =	shalt  }
0x72: {  	_ =	shalt  }
0x73: {  	_ =	shalt  }
0x74: {  	_ =	shalt  }
0x75: {  	_ =	shalt  }
0x76: {  	_ =	shalt  }
0x77: {  	_ =	shalt  }
0x78: {  	_ =	shalt  }
0x79: {  	_ =	shalt  }
0x7a: {  	_ =	shalt  }
0x7b: {  	_ =	shalt  }
0x7c: {  	_ =	shalt  }
0x7d: {  	_ =	shalt  }
0x7e: {  	_ =	shalt  }
0x7f: {  	_ =	shalt  }
0x80: {  	_ =	shalt  }
0x81: {  	_ =	shalt  }
0x82: {  	_ =	shalt  }
0x83: {  	_ =	shalt  }
0x84: {  	_ =	shalt  }
0x85: {  	_ =	shalt  }
0x86: {  	_ =	shalt  }
0x87: {  	_ =	shalt  }
.Lfunc_end0:
.L_simem_size_0:
called_computation.2_lowered:
.L_overlay_start_0:
0x88: {  	s2 =	sld [smem:$0x3FD9]  }
0x89: {  	s3 =	sld [smem:$0x3FFE];
	_ =	sdelay $0x1  }
0x8a: {  	s1 =	srdreg.scid  }
0x8b: {  	s0 =	sand.u32 $0x1, s1  }
0x8c: {  	s17 =	sshll.u32 s0, $0xA;
	s2 =	sadd.s32 s3, s2  }
0x8d: {  	s2 =	sadd.s32 s2, s17  }
0x8e: {  	[smem:$0x3FC4] =	sst s2  }
0x8f: {  	_ = 	snop  }
0x90: {  	s2 =	sld [smem:$0x3FD0];
	(tm) =	ssettm $0x1  }
0x91: {  	s18 =	sld [smem:$0x3FFB];
	_ =	sdelay $0x3  }
0x92: {  	_ =	strace s18  }
0x93: {  	s3 =	sld [smem:$0x3FFC];
	_ =	sdelay $0x3  }
0x94: {  	_ =	strace s3  }
0x95: {  	s3 =	sld [smem:$0x3FFD];
	_ =	sdelay $0x3  }
0x96: {  	_ =	strace s3  }
0x97: {  	_ =	strace $0x8FFFFFFF  }
0x98: {  	s19 =	sld [smem:$0x3FDB];
	_ =	sdelay $0x1  }
0x99: {  	s4 =	simm.s32 $_scs_section_size  }
0x9a: {  	s5 =	simm.s32 $_size__tile_overlayer_lowered;
	s6 =	simm.s32 $_tile_overlayer_lowered  }
0x9b: {  	s22 =	simm.s32 $0x1BFF;
	s21 =	sshll.u32 s6, $0x1;
	s3 =	sadd.s32 s4, s19  }
0x9c: {  	s7 =	simm.s32 $0x0;
	s20 =	sshll.u32 s5, $0x1;
	s5 =	sadd.s32 s21, s3  }
0x9d: {  	[timem:s7], [sflag:s22] =	dma.local [hbm:s5], s20  }
0x9e: {  	_ =	swait.ge [sflag:s22], s20  }
0x9f: {  	s4 =	ssub.s32 $0x0, s20;
	[sflag:s22] =	ssyncset.done $0x0  }
0xa0: {  	[sflag:s22] =	ssyncadd.s32 s4;
	_ =	sdelay $0x1  }
0xa1: {  	s23 =	simm.s32 $0x1B8B  }
0xa2: {  	_ =	swait.ge [sflag:s23], $0x1  }
0xa3: {  	[sflag:s23] =	ssyncset.done $0x0  }
0xa4: {  	s25 =	simm.s32 $0x1B8E;
	s24 =	sld [smem:$0x3FFE];
	[sflag:s23] =	ssyncadd.s32 $0xFFFFFFFF  }
0xa5: {  	s26 =	simm.s32 $execute0_lowered;
	[smem:$0x3FD2] =	sst s25  }
0xa6: {  	s5 =	sshll.u32 s26, $0x1;
	_ =	strace $0x80000046;
	[dreg:$0x1] =	wrdreg $0xFFFFFFFF  }
0xa7: {  	s28 =	simm.s32 $_size_execute0_lowered;
	s3 =	sadd.s32 s3, s5;
	[dreg:$0x0] =	wrdreg $0x0  }
0xa8: {  	s5 =	sshll.u32 s28, $0x1;
	[dreg:$0x2] =	wrdreg s3  }
0xa9: {  	[dreg:$0x3] =	wrdreg s5  }
0xaa: {  	[dreg:$0x4] =	wrdreg $0xC0  }
0xab: {  	_ =	task [dreg:s7], $0x5FFFF  }
0xac: {  	[dreg:$0x1] =	wrdreg $0xFFFFFFFF  }
0xad: {  	[dreg:$0x0] =	wrdreg $0x60  }
0xae: {  	[dreg:$0x2] =	wrdreg s24  }
0xaf: {  	[dreg:$0x3] =	wrdreg s2  }
0xb0: {  	[dreg:$0x4] =	wrdreg $0x9  }
0xb1: {  	_ =	task.clear_ibuf [dreg:s7], $0x5FFFF;
	_ =	strace $0x90000046  }
0xb2: {  	s29 =	simm.s32 $0x9;
	_ =	strace $0x80000048  }
0xb3: {  	_ =	swait.ge [sflag:s29], $0x1  }
0xb4: {  	[sflag:s29] =	ssyncadd.s32 $0xFFFFFFFF  }
0xb5: {  	_ =	strace $0x90000048  }
0xb6: {  	_ =	sfence  }
0xb7: {  	s30 =	sld [smem:$0x0];
	_ =	sdelay $0x2  }
0xb8: {  	s31 =	sshll.u32 s1, $0xD;
	s1 =	sshrl.u32 s1, $0x2  }
0xb9: {  	s3 =	sand.u32 $0x4000, s31;
	s1 =	sadd.s32 s1, s30  }
0xba: {  	s0 =	sor.u32 s3, s0;
	s1 =	sshll.u32 s1, $0x11  }
0xbb: {  	s0 =	sor.u32 s1, s0  }
0xbc: {  	s0 =	sadd.s32 $0x8F2B, s0  }
0xbd: {  	[sflag:s0] =	ssyncadd.remote.s32 $0x1  }
0xbe: {  	_ =	sfence.sel $0xFFFF  }
0xbf: {  	[dreg:$0x0] =	wrdreg $0xFFFFFFFF;
	(pc) =	sbr.abs _section_cstart, $3  }
0xc0: {  	[dreg:$0x1] =	wrdreg $0xFFFFFFFF  }
0xc1: {  	_ =	task.clear_ibuf [dreg:s7], $0x2FFFF;
	_ =	strace $0x9FFFFFFF  }
0xc2: {  	(tm) =	ssettm $0x7FFFFFFF  }
0xc3: {  	_ =	shalt  }
tec
execute0_lowered:
.L_overlay_start_1:
0x0: {  	(tag) =	ssettag $0x1  }
0x1: {  	s3 =	rddreg [dreg:$0x0];
	s1 =	srdreg.scid  }
0x2: {  	s0 =	stileid.u32;
	s5 =	rddreg [dreg:$0x1]  }
0x3: {  	s2 =	simm.s32 $0x0;
	s10 =	simm.s32 $0x0;
	s6 =	smul.u32 $0x1A000, s0  }
0x4: {  	s4 =	sand.u32 $0x1, s1;
	s1 =	rddreg [dreg:$0x2];
	s9 =	smul.u32 $0x34000, s0  }
0x5: {  	[smem:$0x7FF] =	sst s2;
	s7 =	smul.u32 $0xD000, s4;
	s30 =	ssub.s32 $0x2, s4  }
0x6: {  	_ =	strace $0x80000047;
	s31 =	smul.u32 $0x1A000, s4;
	s8 =	sshrl.u32 s30, $0x1  }
0x7: {  	s5 =	sadd.s32 s9, s5;
	s9 =	simm.s32 $0x1;
	s6 =	sadd.s32 s7, s6  }
0x8: {  	s7 =	ssub.s32 s30, s8;
	s5 =	sadd.s32 s31, s5;
	s6 =	sshrl.u32 s6, $0x3  }
0x9: {  	s8 =	simm.s32 $0x1000;
	s4 =	smax.u32 s7, $0x1;
	s6 =	sadd.s32 s6, s3  }
0xa: {  	s7 =	simm.s32 $0x2;
	s3 =	sadd.s32 $0x7D7C00, s3;
	s6 =	sadd.s32 $0x2A00, s6  }
.LBB2_1:
0xb: {  	s11 =	sadd.s32 $0x0, s6  }
0xc: {  	[tilespmem:s2], [sflag:$0x2] =	stream.linear.gather [hbm4b:s11+s2], $0x1000, $0x38;
	[tilespmem:$0x11000] =	vst v63  }
0xd: {  	_ =	swait.ge [sflag:s7], $0x1000  }
0xe: {  	[sflag:s7] =	ssyncset.done $0x0  }
0xf: {  	[sflag:s7] =	ssyncadd.s32 $0xFFFFF000  }
0x10: {  	[tilespmem:s8], [sflag:$0x1] =	stream.indirect.gather [hbm4b:s3+s8], $0x10, s2, s8, $0xb8;
	[tilespmem:$0x11000] =	vst v63  }
0x11: {  	_ =	swait.ge [sflag:s9], $0x10000  }
0x12: {  	[sflag:s9] =	ssyncset.done $0x0  }
0x13: {  	[sflag:s9] =	ssyncadd.s32 $0xFFFF0000  }
0x14: {  	[hbm4b:s5+s2] =	stream.linear.scatter [tilespmem:s8], [sflag:$0x2], $0x10000, $0x38;
	[tilespmem:$0x11000] =	vst v63  }
0x15: {  	s12 =	simm.s32 $0x200;
	_ =	swait.ge [sflag:s7], $0x10000  }
0x16: {  	s13 =	simm.s32 $0x400;
	s11 =	sadd.s32 $0x2000, s5;
	[sflag:s7] =	ssyncset.done $0x0  }
.LBB2_2:
0x17: {  	s14 =	sadd.s32 s12, s6  }
0x18: {  	[sflag:s7] =	ssyncadd.s32 $0xFFFF0000;
	s12 =	smov.u32 s13;
	s15 =	sadd.s32 $0x200, s13  }
0x19: {  	[tilespmem:s2], [sflag:$0x2] =	stream.linear.gather [hbm4b:s14+s2], $0x1000, $0x38;
	[tilespmem:$0x11000] =	vst v63  }
0x1a: {  	p0 =	sne.s32 s13, $0x1800;
	_ =	swait.ge [sflag:s7], $0x1000  }
0x1b: {  	[sflag:s7] =	ssyncset.done $0x0  }
0x1c: {  	[sflag:s7] =	ssyncadd.s32 $0xFFFFF000  }
0x1d: {  	[tilespmem:s8], [sflag:$0x1] =	stream.indirect.gather [hbm4b:s3+s8], $0x10, s2, s8, $0xb8;
	[tilespmem:$0x11000] =	vst v63  }
0x1e: {  	_ =	swait.ge [sflag:s9], $0x10000  }
.Ltmp0:
0x1f: {  	[sflag:s9] =	ssyncset.done $0x0;
	(pc) =	sbr.rel @p0 .LBB2_2-.Ltmp0, $4  }
0x20: {  	[sflag:s9] =	ssyncadd.s32 $0xFFFF0000  }
0x21: {  	[hbm4b:s11+s2] =	stream.linear.scatter [tilespmem:s8], [sflag:$0x2], $0x10000, $0x38;
	[tilespmem:$0x11000] =	vst v63  }
0x22: {  	_ =	swait.ge [sflag:s7], $0x10000  }
0x23: {  	s13 =	smov.u32 s15;
	s11 =	sadd.s32 $0x2000, s11;
	[sflag:s7] =	ssyncset.done $0x0  }
0x24: {  	s12 =	sadd.s32 s12, s6;
	[sflag:s7] =	ssyncadd.s32 $0xFFFF0000  }
0x25: {  	[tilespmem:s2], [sflag:$0x2] =	stream.linear.gather [hbm4b:s12+s2], $0x1000, $0x38;
	[tilespmem:$0x11000] =	vst v63  }
0x26: {  	_ =	swait.ge [sflag:s7], $0x1000  }
0x27: {  	[sflag:s7] =	ssyncset.done $0x0  }
0x28: {  	[sflag:s7] =	ssyncadd.s32 $0xFFFFF000  }
0x29: {  	[tilespmem:s8], [sflag:$0x1] =	stream.indirect.gather [hbm4b:s3+s8], $0x10, s2, s8, $0xb8;
	[tilespmem:$0x11000] =	vst v63  }
0x2a: {  	s10 =	sadd.s32 $0x1, s10;
	_ =	swait.ge [sflag:s9], $0x10000  }
0x2b: {  	p0 =	sne.s32 s10, s4;
	[sflag:s9] =	ssyncset.done $0x0  }
.Ltmp1:
0x2c: {  	[sflag:s9] =	ssyncadd.s32 $0xFFFF0000;
	(pc) =	sbr.rel @p0 .LBB2_1-.Ltmp1, $4  }
0x2d: {  	[hbm4b:s11+s2] =	stream.linear.scatter [tilespmem:s8], [sflag:$0x2], $0x10000, $0x38;
	[tilespmem:$0x11000] =	vst v63  }
0x2e: {  	_ =	swait.ge [sflag:s7], $0x10000  }
0x2f: {  	[sflag:s7] =	ssyncset.done $0x0  }
0x30: {  	[sflag:s7] =	ssyncadd.s32 $0xFFFF0000  }
0x31: {  	_ =	sfence.sel $0x180000  }
0x32: {  	[bflag:$0x0] =	sbarrier.arrive $0xFFFF  }
0x33: {  	p0 =	sne.s32 s0, $0x0;
	_ =	strace $0x90000047  }
0x34: {  	s0 =	sadd.s32 @!p0 $0x100000, s1;
	[bflag:$0x2] =	sbarrier.arrive $0xFFFF  }
0x35: {  	[sflag:s0] =	ssyncadd.tile.s32 @!p0 $0x1;
	_ =	shalt  }
.Lfunc_end2:
_tile_overlayer_lowered:
.L_overlay_start_2:
0x36: {  	(tag) =	ssettag $0x2  }
0x37: {  	s0 =	rddreg [dreg:$0x0];
	s2 =	stileid.u32  }
0x38: {  	s1 =	rddreg [dreg:$0x1];
	p0 =	sne.s32 s2, $0x0  }
0x39: {  	s3 =	rddreg [dreg:$0x2];
	[bflag:$0x3] =	sbarrier.arrive $0xFFFF;
	s2 =	simm.s32 @!p0 $0x1C02  }
0x3a: {  	[timem:s3], [sflag:s2] =	dma.local @!p0 [hbm:s0], s1  }
0x3b: {  	s0 =	simm.s32 @!p0 $0x2  }
0x3c: {  	_ =	swait.ge @!p0 [sflag:s0], s1  }
0x3d: {  	s1 =	ssub.s32 @!p0 $0x0, s1;
	[sflag:s0] =	ssyncset.done @!p0 $0x0  }
0x3e: {  	[sflag:s0] =	ssyncadd.s32 @!p0 s1  }
0x3f: {  	[bflag:$0x3] =	sbarrier.arrive $0xFFFF  }
0x40: {  	_ =	shalt  }

// kernel: sparse-core-data-format-call.1.cloned.1.call-start
scs
called_computation.1_lowered:
.L_overlay_start_0:
0x0: {  	s2 =	sld [smem:$0x3FD9]  }
0x1: {  	s3 =	sld [smem:$0x3FFE];
	_ =	sdelay $0x1  }
0x2: {  	s1 =	srdreg.scid  }
0x3: {  	s0 =	sand.u32 $0x1, s1  }
0x4: {  	s18 =	sshll.u32 s0, $0xA;
	s2 =	sadd.s32 s3, s2  }
0x5: {  	s2 =	sadd.s32 s2, s18  }
0x6: {  	[smem:$0x3FC4] =	sst s2  }
0x7: {  	_ = 	snop  }
0x8: {  	s2 =	sld [smem:$0x3FD0];
	(tm) =	ssettm $0x1  }
0x9: {  	s19 =	sld [smem:$0x3FFB];
	_ =	sdelay $0x3  }
0xa: {  	_ =	strace s19  }
0xb: {  	s3 =	sld [smem:$0x3FFC];
	_ =	sdelay $0x3  }
0xc: {  	_ =	strace s3  }
0xd: {  	s3 =	sld [smem:$0x3FFD];
	_ =	sdelay $0x3  }
0xe: {  	_ =	strace s3  }
0xf: {  	_ =	strace $0x8FFFFFFF  }
0x10: {  	s20 =	sld [smem:$0x3FDB];
	_ =	sdelay $0x1  }
0x11: {  	s4 =	simm.s32 $_scs_section_size  }
0x12: {  	s5 =	simm.s32 $_size__tile_overlayer_lowered;
	s6 =	simm.s32 $_tile_overlayer_lowered  }
0x13: {  	s23 =	simm.s32 $0x1BFF;
	s22 =	sshll.u32 s6, $0x1;
	s3 =	sadd.s32 s4, s20  }
0x14: {  	s7 =	simm.s32 $0x0;
	s21 =	sshll.u32 s5, $0x1;
	s5 =	sadd.s32 s22, s3  }
0x15: {  	[timem:s7], [sflag:s23] =	dma.local [hbm:s5], s21  }
0x16: {  	_ =	swait.ge [sflag:s23], s21  }
0x17: {  	s4 =	ssub.s32 $0x0, s21;
	[sflag:s23] =	ssyncset.done $0x0  }
0x18: {  	[sflag:s23] =	ssyncadd.s32 s4;
	_ =	sdelay $0x1  }
0x19: {  	s24 =	simm.s32 $0x1B8B  }
0x1a: {  	_ =	swait.ge [sflag:s24], $0x1  }
0x1b: {  	[sflag:s24] =	ssyncset.done $0x0  }
0x1c: {  	s26 =	simm.s32 $0x1B8E;
	s25 =	sld [smem:$0x3FFE];
	[sflag:s24] =	ssyncadd.s32 $0xFFFFFFFF  }
0x1d: {  	s27 =	simm.s32 $execute0_lowered;
	[smem:$0x3FD2] =	sst s26  }
0x1e: {  	s5 =	sshll.u32 s27, $0x1;
	_ =	strace $0x80000049;
	[dreg:$0x1] =	wrdreg $0xFFFFFFFF  }
0x1f: {  	s28 =	simm.s32 $_size_execute0_lowered;
	s3 =	sadd.s32 s3, s5;
	[dreg:$0x0] =	wrdreg $0x0  }
0x20: {  	s5 =	sshll.u32 s28, $0x1;
	[dreg:$0x2] =	wrdreg s3  }
0x21: {  	[dreg:$0x3] =	wrdreg s5  }
0x22: {  	[dreg:$0x4] =	wrdreg $0xC0  }
0x23: {  	_ =	task [dreg:s7], $0x5FFFF  }
0x24: {  	[dreg:$0x1] =	wrdreg $0xFFFFFFFF  }
0x25: {  	[dreg:$0x0] =	wrdreg $0x60  }
0x26: {  	[dreg:$0x2] =	wrdreg s25  }
0x27: {  	[dreg:$0x3] =	wrdreg s2  }
0x28: {  	[dreg:$0x4] =	wrdreg $0x9  }
0x29: {  	_ =	task.clear_ibuf [dreg:s7], $0x5FFFF;
	_ =	strace $0x90000049  }
0x2a: {  	s29 =	simm.s32 $0x9;
	_ =	strace $0x8000004B  }
0x2b: {  	_ =	swait.ge [sflag:s29], $0x1  }
0x2c: {  	[sflag:s29] =	ssyncadd.s32 $0xFFFFFFFF  }
0x2d: {  	_ =	strace $0x9000004B  }
0x2e: {  	_ =	sfence  }
0x2f: {  	s30 =	sld [smem:$0x0];
	_ =	sdelay $0x2  }
0x30: {  	s31 =	sshll.u32 s1, $0xD;
	s1 =	sshrl.u32 s1, $0x2  }
0x31: {  	s3 =	sand.u32 $0x4000, s31;
	s1 =	sadd.s32 s1, s30  }
0x32: {  	s0 =	sor.u32 s3, s0;
	s1 =	sshll.u32 s1, $0x11  }
0x33: {  	s0 =	sor.u32 s1, s0  }
0x34: {  	s0 =	sadd.s32 $0x8F2B, s0  }
0x35: {  	[sflag:s0] =	ssyncadd.remote.s32 $0x1  }
0x36: {  	_ =	sfence.sel $0xFFFF  }
0x37: {  	[dreg:$0x0] =	wrdreg $0xFFFFFFFF;
	(pc) =	sbr.abs _section_cstart, $3  }
0x38: {  	[dreg:$0x1] =	wrdreg $0xFFFFFFFF  }
0x39: {  	_ =	task.clear_ibuf [dreg:s7], $0x2FFFF;
	_ =	strace $0x9FFFFFFF  }
0x3a: {  	(tm) =	ssettm $0x7FFFFFFF  }
0x3b: {  	_ =	shalt  }
tec
execute0_lowered:
.L_overlay_start_1:
0x0: {  	(tag) =	ssettag $0x1  }
0x1: {  	s9 =	rddreg [dreg:$0x0]  }
0x2: {  	s0 =	srdreg.scid;
	s2 =	rddreg [dreg:$0x1];
	s5 =	simm.s32 $0x1  }
0x3: {  	s8 =	simm.s32 $0x2;
	s16 =	simm.s32 $0x0;
	s1 =	sshll.u32 s0, $0x4  }
0x4: {  	s11 =	simm.s32 $0x340000;
	s0 =	stileid.u32;
	s1 =	sand.u32 $0x10, s1  }
0x5: {  	s15 =	simm.s32 $0x0;
	s13 =	simm.s32 $0x0;
	s3 =	sor.u32 s0, s1  }
0x6: {  	s14 =	simm.s32 $0x0;
	s4 =	sadd.s32 $0x1000, s9;
	s3 =	sshll.u32 s3, $0x7  }
0x7: {  	s1 =	rddreg [dreg:$0x2];
	_ =	strace $0x8000004A;
	s6 =	ssub.s32 $0x68000, s3  }
.Ltmp0:
0x8: {  	[sflag:s5] =	ssyncpa.u1 $0x0;
	s7 =	sand.u32 $0xF80, s6;
	(pc) =	sbr.rel .LBB1_1-.Ltmp0, $4  }
0x9: {  	[sflag:s8] =	ssyncpa.u1 $0x0;
	p0 =	sne.s32 s7, $0x0;
	s7 =	simm.s32 $0x1  }
0xa: {  	s8 =	sadd.s32 $0xD01000, s9;
	s6 =	sshrl.u32 s6, $0xC;
	s7 =	simm.s32 @!p0 $0x0  }
0xb: {  	s12 =	smov.u32 s3;
	p0 =	por $0x0, $0x0;
	s6 =	sadd.s32 s7, s6  }
0xc: {  	s7 =	sadd.s32 $0x681000, s9;
	s9 =	sadd.s32 $0x1381000, s9;
	s10 =	sadd.s32 $0x1, s6  }
.LBB1_7:
0xd: {  	s17 =	sadd.s32 $0x1000, s12  }
0xe: {  	s15 =	sadd.s32 $0x4, s13;
	s19 =	smov.u32 s13;
	p2 =	sgt.s32 s17, $0x67FFF  }
0xf: {  	s19 =	smov.u32 @p2 s15  }
0x10: {  	s17 =	smov.u32 @p2 s3;
	p2 =	sgt.s32 s19, $0x3  }
0x11: {  	s19 =	simm.s32 @p2 $0x0;
	p2 =	sne.s32 s14, s10  }
.Ltmp1:
0x12: {  	p1 =	slt.u32 s14, $0x2;
	(pc) =	sbr.rel @!p2 .LBB1_8-.Ltmp1, $4  }
0x13: {  	s18 =	simm.s32 @!p1 $0x2  }
0x14: {  	s16 =	smov.u32 s12;
	p0 =	por !p0, !p0;
	_ =	swait.ge @!p1 [sflag:s18], $0x2000  }
0x15: {  	s15 =	smov.u32 s13;
	[sflag:s18] =	ssyncset.done @!p1 $0x0;
	s12 =	smov.u32 s17  }
0x16: {  	s14 =	sadd.s32 $0x1, s14;
	[sflag:s18] =	ssyncadd.s32 @!p1 $0xFFFFE000;
	s13 =	smov.u32 s19  }
.LBB1_1:
0x17: {  	p1 =	sge.u32 s14, s6  }
0x18: {  	s17 =	sand.u32 @!p1 $0x1FFFFFF, s12  }
0x19: {  	s18 =	smulhi.u32 @!p1 $0x2762763, s17;
	_ =	sdelay $0x1  }
0x1a: {  	s18 =	sshrl.u32 @!p1 s18, $0xC  }
0x1b: {  	s18 =	smul.u32 @!p1 $0x68000, s18  }
0x1c: {  	s19 =	sxor.u32 @!p1 $0xFFFFFFFF, s14;
	s20 =	smul.u32 @!p1 $0x680000, s13  }
0x1d: {  	s19 =	sshll.u32 @!p1 s19, $0xD;
	s17 =	ssub.s32 @!p1 s17, s18  }
0x1e: {  	s18 =	sand.u32 @!p1 $0x2000, s19;
	s19 =	sadd.s32 @!p1 s4, s20;
	s17 =	sshll.u32 @!p1 s17, $0x4  }
0x1f: {  	s21 =	simm.s32 @!p1 $0x10;
	s22 =	simm.s32 @!p1 $0x80;
	s19 =	sadd.s32 @!p1 s17, s19  }
0x20: {  	[tilespmem:s18], [sflag:$0x1] =	stream.strided.gather @!p1 [hbm4b:s19+s21], $0x800, s22, s21, $0x38;
	[tilespmem:$0x8080] =	vst v63  }
0x21: {  	s19 =	sadd.s32 @!p1 s20, s7  }
0x22: {  	s23 =	sor.u32 @!p1 $0x800, s18;
	s19 =	sadd.s32 @!p1 s17, s19  }
0x23: {  	[tilespmem:s23], [sflag:$0x1] =	stream.strided.gather @!p1 [hbm4b:s19+s21], $0x800, s22, s21, $0x38;
	[tilespmem:$0x8080] =	vst v63  }
0x24: {  	s19 =	sadd.s32 @!p1 s20, s8  }
0x25: {  	s23 =	sor.u32 @!p1 $0x1000, s18;
	s19 =	sadd.s32 @!p1 s17, s19  }
0x26: {  	[tilespmem:s23], [sflag:$0x1] =	stream.strided.gather @!p1 [hbm4b:s19+s21], $0x800, s22, s21, $0x38;
	[tilespmem:$0x8080] =	vst v63  }
0x27: {  	s19 =	sadd.s32 @!p1 s20, s9  }
0x28: {  	s31 =	sadd.s32 $0xFFFFFFFF, s14;
	s18 =	sor.u32 @!p1 $0x1800, s18;
	s17 =	sadd.s32 @!p1 s17, s19  }
0x29: {  	[tilespmem:s18], [sflag:$0x1] =	stream.strided.gather @!p1 [hbm4b:s17+s21], $0x800, s22, s21, $0x38;
	[tilespmem:$0x8080] =	vst v63  }
0x2a: {  	p1 =	sge.u32 s31, s6  }
.Ltmp2:
0x2b: {  	_ = 	snop;
	(pc) =	sbr.rel @p1 .LBB1_7-.Ltmp2, $1  }
0x2c: {  	_ =	sdelay $0x3  }
0x2d: {  	s17 =	simm.s32 $0x1;
	s19 =	sand.u32 $0x1, s14  }
0x2e: {  	_ =	swait.ge [sflag:s5], $0x2000;
	s17 =	simm.s32 @!p0 $0x0;
	s20 =	smul.u32 $0x8100, s19  }
0x2f: {  	[sflag:s5] =	ssyncset.done $0x0;
	s18 =	smul.u32 $0x8100, s17  }
0x30: {  	s17 =	sshll.u32 s17, $0xD;
	[sflag:s5] =	ssyncadd.s32 $0xFFFFE000  }
0x31: {  	s19 =	sor.u32 $0x40, s17;
	s31 =	sshrl.u32 s20, $0x2;
	s18 =	sshrl.u32 s18, $0x2  }
0x32: {  	s20 =	simm.s32 $0x0;
	s17 =	sor.u32 $0x4000, s31;
	s18 =	sor.u32 $0x4007, s18  }
.LBB1_3:
0x33: {  	v3 =	vld [tilespmem:s19+$0x30]  }
0x34: {  	v4 =	vld [tilespmem:s19+$0xFFFFFFD0]  }
0x35: {  	v5 =	vld [tilespmem:s19+$0xFFFFFFE0]  }
0x36: {  	v1 =	vld [tilespmem:s19+$0xFFFFFFF0]  }
0x37: {  	v0 =	vld [tilespmem:s19+$0x0]  }
0x38: {  	v2 =	vld [tilespmem:s19+$0x10];
	[tilespmem:s18+$0x0 ss:$0x81] =	vst.msk $0xffff, v3  }
0x39: {  	[tilespmem:s18+$0xFFFFFFFA ss:$0x81] =	vst.msk $0xffff, v4;
	v4 =	vld [tilespmem:s19+$0x20]  }
0x3a: {  	s22 =	simm.s32 $0x0;
	s23 =	sadd.s32 $0x80, s19;
	s21 =	smov.u32 s18;
	v3 =	vld [tilespmem:s19+$0xFFFFFFC0];
	[tilespmem:s18+$0xFFFFFFFB ss:$0x81] =	vst.msk $0xffff, v5  }
.LBB1_4:
0x3b: {  	v5 =	vld [tilespmem:s23+$0x30];
	s22 =	sadd.s32 $0x8, s22;
	[tilespmem:s21+$0xFFFFFFFC ss:$0x81] =	vst.msk $0xffff, v1  }
0x3c: {  	v6 =	vld [tilespmem:s23+$0xFFFFFFD0];
	p1 =	slt.u32 s22, $0x78;
	[tilespmem:s21+$0xFFFFFFFD ss:$0x81] =	vst.msk $0xffff, v0  }
0x3d: {  	v7 =	vld [tilespmem:s23+$0xFFFFFFE0];
	[tilespmem:s21+$0xFFFFFFFE ss:$0x81] =	vst.msk $0xffff, v2  }
.Ltmp3:
0x3e: {  	v1 =	vld [tilespmem:s23+$0xFFFFFFF0];
	[tilespmem:s21+$0xFFFFFFFF ss:$0x81] =	vst.msk $0xffff, v4;
	(pc) =	sbr.rel @p1 .LBB1_4-.Ltmp3, $4  }
0x3f: {  	v0 =	vld [tilespmem:s23+$0x0];
	[tilespmem:s21+$0xFFFFFFF9 ss:$0x81] =	vst.msk $0xffff, v3;
	s21 =	sadd.s32 $0x8, s21  }
0x40: {  	v2 =	vld [tilespmem:s23+$0x10];
	[tilespmem:s21+$0x0 ss:$0x81] =	vst.msk $0xffff, v5  }
0x41: {  	[tilespmem:s21+$0xFFFFFFFA ss:$0x81] =	vst.msk $0xffff, v6;
	v4 =	vld [tilespmem:s23+$0x20]  }
0x42: {  	v3 =	vld [tilespmem:s23+$0xFFFFFFC0];
	[tilespmem:s21+$0xFFFFFFFB ss:$0x81] =	vst.msk $0xffff, v7;
	s23 =	sadd.s32 $0x80, s23  }
0x43: {  	s20 =	sadd.s32 $0x1, s20  }
0x44: {  	p1 =	sne.s32 s20, $0x4  }
.Ltmp4:
0x45: {  	[tilespmem:s21+$0xFFFFFFFC ss:$0x81] =	vst.msk $0xffff, v1;
	(pc) =	sbr.rel @p1 .LBB1_3-.Ltmp4, $4  }
0x46: {  	[tilespmem:s21+$0xFFFFFFFD ss:$0x81] =	vst.msk $0xffff, v0  }
0x47: {  	[tilespmem:s21+$0xFFFFFFFE ss:$0x81] =	vst.msk $0xffff, v2  }
0x48: {  	[tilespmem:s21+$0xFFFFFFFF ss:$0x81] =	vst.msk $0xffff, v4  }
0x49: {  	s18 =	sadd.s32 $0x810, s18;
	s19 =	sadd.s32 $0x800, s19;
	[tilespmem:s21+$0xFFFFFFF9 ss:$0x81] =	vst.msk $0xffff, v3  }
0x4a: {  	s18 =	sshll.u32 s16, $0x3  }
0x4b: {  	s29 =	sand.u32 $0x7F, s16;
	s19 =	sand.u32 $0xFFFFFC00, s18  }
0x4c: {  	s18 =	smulhi.u32 $0x4EC4EC4F, s18;
	s16 =	sor.u32 s29, s19  }
0x4d: {  	s19 =	smulhi.u32 $0x4EC4EC4F, s16;
	_ =	sdelay $0x1  }
0x4e: {  	s15 =	smul.u32 $0xD0000, s15;
	s18 =	sshrl.u32 s18, $0x11;
	s19 =	sshrl.u32 s19, $0x11  }
0x4f: {  	s18 =	sand.u32 $0xF, s18;
	s19 =	smul.u32 $0x68000, s19  }
0x50: {  	s18 =	smul.u32 $0xD000, s18  }
.Ltmp5:
0x51: {  	s16 =	ssub.s32 s16, s19;
	(pc) =	sbr.rel .LBB1_7-.Ltmp5, $4  }
0x52: {  	s15 =	sadd.s32 s2, s15;
	s19 =	sand.u32 $0x7, s16  }
0x53: {  	s15 =	sadd.s32 s18, s15;
	s16 =	sshrl.u32 s16, $0x3;
	s30 =	sshll.u32 s19, $0x12  }
0x54: {  	s15 =	sadd.s32 s16, s15;
	s31 =	sor.u32 $0x400, s30  }
0x55: {  	[hbm4b:s15+s31] =	stream.strided.scatter [tilespmem:s17], [sflag:$0x2], $0x2000, s11, s31, $0x20;
	[tilespmem:$0x8080] =	vst v63  }
.LBB1_8:
0x56: {  	_ =	sfence.sel $0x180000  }
0x57: {  	s2 =	simm.s32 $0x1;
	[bflag:$0x0] =	sbarrier.arrive $0xFFFF  }
0x58: {  	s31 =	simm.s32 $0x2;
	[sflag:s2] =	ssyncpa.u1 $0x1  }
0x59: {  	[sflag:s31] =	ssyncpa.u1 $0x1  }
0x5a: {  	p0 =	sne.s32 s0, $0x0;
	_ =	strace $0x9000004A  }
0x5b: {  	s0 =	sadd.s32 @!p0 $0x100000, s1;
	[bflag:$0x2] =	sbarrier.arrive $0xFFFF  }
0x5c: {  	[sflag:s0] =	ssyncadd.tile.s32 @!p0 $0x1;
	_ =	shalt  }
.Lfunc_end1:
_tile_overlayer_lowered:
.L_overlay_start_2:
0x5d: {  	(tag) =	ssettag $0x2  }
0x5e: {  	s0 =	rddreg [dreg:$0x0];
	s2 =	stileid.u32  }
0x5f: {  	s1 =	rddreg [dreg:$0x1];
	p0 =	sne.s32 s2, $0x0  }
0x60: {  	s3 =	rddreg [dreg:$0x2];
	[bflag:$0x3] =	sbarrier.arrive $0xFFFF;
	s2 =	simm.s32 @!p0 $0x1C01  }
0x61: {  	[timem:s3], [sflag:s2] =	dma.local @!p0 [hbm:s0], s1  }
0x62: {  	s0 =	simm.s32 @!p0 $0x1  }
0x63: {  	_ =	swait.ge @!p0 [sflag:s0], s1  }
0x64: {  	s1 =	ssub.s32 @!p0 $0x0, s1;
	[sflag:s0] =	ssyncset.done @!p0 $0x0  }
0x65: {  	[sflag:s0] =	ssyncadd.s32 @!p0 s1  }
0x66: {  	[bflag:$0x3] =	sbarrier.arrive $0xFFFF  }
0x67: {  	_ =	shalt  }

// kernel: sparse-core-data-format-call.cloned.1.call-start
scs
called_computation_lowered:
.L_overlay_start_0:
0x0: {  	s2 =	sld [smem:$0x3FD9]  }
0x1: {  	s3 =	sld [smem:$0x3FFE];
	_ =	sdelay $0x1  }
0x2: {  	s1 =	srdreg.scid  }
0x3: {  	s0 =	sand.u32 $0x1, s1  }
0x4: {  	s18 =	sshll.u32 s0, $0xA;
	s2 =	sadd.s32 s3, s2  }
0x5: {  	s2 =	sadd.s32 s2, s18  }
0x6: {  	[smem:$0x3FC4] =	sst s2  }
0x7: {  	_ = 	snop  }
0x8: {  	s2 =	sld [smem:$0x3FD0];
	(tm) =	ssettm $0x1  }
0x9: {  	s19 =	sld [smem:$0x3FFB];
	_ =	sdelay $0x3  }
0xa: {  	_ =	strace s19  }
0xb: {  	s3 =	sld [smem:$0x3FFC];
	_ =	sdelay $0x3  }
0xc: {  	_ =	strace s3  }
0xd: {  	s3 =	sld [smem:$0x3FFD];
	_ =	sdelay $0x3  }
0xe: {  	_ =	strace s3  }
0xf: {  	_ =	strace $0x8FFFFFFF  }
0x10: {  	s20 =	sld [smem:$0x3FDB];
	_ =	sdelay $0x1  }
0x11: {  	s4 =	simm.s32 $_scs_section_size  }
0x12: {  	s5 =	simm.s32 $_size__tile_overlayer_lowered;
	s6 =	simm.s32 $_tile_overlayer_lowered  }
0x13: {  	s23 =	simm.s32 $0x1BFF;
	s22 =	sshll.u32 s6, $0x1;
	s3 =	sadd.s32 s4, s20  }
0x14: {  	s7 =	simm.s32 $0x0;
	s21 =	sshll.u32 s5, $0x1;
	s5 =	sadd.s32 s22, s3  }
0x15: {  	[timem:s7], [sflag:s23] =	dma.local [hbm:s5], s21  }
0x16: {  	_ =	swait.ge [sflag:s23], s21  }
0x17: {  	s4 =	ssub.s32 $0x0, s21;
	[sflag:s23] =	ssyncset.done $0x0  }
0x18: {  	[sflag:s23] =	ssyncadd.s32 s4;
	_ =	sdelay $0x1  }
0x19: {  	s24 =	simm.s32 $0x1B8B  }
0x1a: {  	_ =	swait.ge [sflag:s24], $0x1  }
0x1b: {  	[sflag:s24] =	ssyncset.done $0x0  }
0x1c: {  	s26 =	simm.s32 $0x1B8E;
	s25 =	sld [smem:$0x3FFE];
	[sflag:s24] =	ssyncadd.s32 $0xFFFFFFFF  }
0x1d: {  	s27 =	simm.s32 $execute0_lowered;
	[smem:$0x3FD2] =	sst s26  }
0x1e: {  	s5 =	sshll.u32 s27, $0x1;
	_ =	strace $0x8000004C;
	[dreg:$0x1] =	wrdreg $0xFFFFFFFF  }
0x1f: {  	s28 =	simm.s32 $_size_execute0_lowered;
	s3 =	sadd.s32 s3, s5;
	[dreg:$0x0] =	wrdreg $0x0  }
0x20: {  	s5 =	sshll.u32 s28, $0x1;
	[dreg:$0x2] =	wrdreg s3  }
0x21: {  	[dreg:$0x3] =	wrdreg s5  }
0x22: {  	[dreg:$0x4] =	wrdreg $0xC0  }
0x23: {  	_ =	task [dreg:s7], $0x5FFFF  }
0x24: {  	[dreg:$0x1] =	wrdreg $0xFFFFFFFF  }
0x25: {  	[dreg:$0x0] =	wrdreg $0x60  }
0x26: {  	[dreg:$0x2] =	wrdreg s25  }
0x27: {  	[dreg:$0x3] =	wrdreg s2  }
0x28: {  	[dreg:$0x4] =	wrdreg $0x9  }
0x29: {  	_ =	task.clear_ibuf [dreg:s7], $0x5FFFF;
	_ =	strace $0x9000004C  }
0x2a: {  	s29 =	simm.s32 $0x9;
	_ =	strace $0x8000004E  }
0x2b: {  	_ =	swait.ge [sflag:s29], $0x1  }
0x2c: {  	[sflag:s29] =	ssyncadd.s32 $0xFFFFFFFF  }
0x2d: {  	_ =	strace $0x9000004E  }
0x2e: {  	_ =	sfence  }
0x2f: {  	s30 =	sld [smem:$0x0];
	_ =	sdelay $0x2  }
0x30: {  	s31 =	sshll.u32 s1, $0xD;
	s1 =	sshrl.u32 s1, $0x2  }
0x31: {  	s3 =	sand.u32 $0x4000, s31;
	s1 =	sadd.s32 s1, s30  }
0x32: {  	s0 =	sor.u32 s3, s0;
	s1 =	sshll.u32 s1, $0x11  }
0x33: {  	s0 =	sor.u32 s1, s0  }
0x34: {  	s0 =	sadd.s32 $0x8F2B, s0  }
0x35: {  	[sflag:s0] =	ssyncadd.remote.s32 $0x1  }
0x36: {  	_ =	sfence.sel $0xFFFF  }
0x37: {  	[dreg:$0x0] =	wrdreg $0xFFFFFFFF;
	(pc) =	sbr.abs _section_cstart, $3  }
0x38: {  	[dreg:$0x1] =	wrdreg $0xFFFFFFFF  }
0x39: {  	_ =	task.clear_ibuf [dreg:s7], $0x2FFFF;
	_ =	strace $0x9FFFFFFF  }
0x3a: {  	(tm) =	ssettm $0x7FFFFFFF  }
0x3b: {  	_ =	shalt  }
tec
execute0_lowered:
.L_overlay_start_1:
0x0: {  	(tag) =	ssettag $0x1  }
0x1: {  	s10 =	rddreg [dreg:$0x0]  }
0x2: {  	s2 =	rddreg [dreg:$0x1]  }
0x3: {  	s0 =	rddreg [dreg:$0x2]  }
0x4: {  	s1 =	stileid.u32;
	s4 =	srdreg.scid  }
0x5: {  	_ =	strace $0x8000004D;
	s9 =	simm.s32 $0x1;
	s31 =	simm.s32 $0x2  }
0x6: {  	s18 =	simm.s32 $0x0;
	s12 =	simm.s32 $0x100000;
	s19 =	simm.s32 $0x0  }
0x7: {  	s13 =	simm.s32 $0x0;
	s14 =	simm.s32 $0x0;
	s17 =	simm.s32 $0x0  }
0x8: {  	s3 =	sshll.u32 s1, $0x2;
	s5 =	sshll.u32 s4, $0x7;
	s4 =	sadd.s32 $0x1000, s10  }
0x9: {  	s5 =	sand.u32 $0x80, s5;
	s6 =	ssub.s32 $0x40, s3;
	s16 =	smov.u32 s3  }
0xa: {  	s7 =	sshrl.u32 s6, $0x6;
	s6 =	sand.u32 $0x3C, s6;
	s8 =	ssub.s32 $0x4000, s5  }
0xb: {  	p0 =	sne.s32 s6, $0x0;
	s30 =	sshrl.u32 s8, $0x7;
	s8 =	sshrl.u32 s8, $0x8  }
.Ltmp0:
0xc: {  	s9 =	simm.s32 @!p0 $0x0;
	s11 =	sand.u32 $0x1, s30;
	(pc) =	sbr.rel .LBB1_1-.Ltmp0, $4  }
0xd: {  	s6 =	simm.s32 $0x1;
	s7 =	sadd.s32 s9, s7;
	s8 =	sadd.s32 s8, s11  }
0xe: {  	s15 =	smov.u32 s5;
	[sflag:s6] =	ssyncpa.u1 $0x0;
	s7 =	smul.u32 s7, s8  }
0xf: {  	p0 =	por $0x0, $0x0;
	[sflag:s31] =	ssyncpa.u1 $0x0;
	s9 =	sadd.s32 $0x81000, s10  }
0x10: {  	s8 =	sadd.s32 $0x41000, s10;
	s10 =	sadd.s32 $0xC1000, s10;
	s11 =	sadd.s32 $0x1, s7  }
.LBB1_7:
0x11: {  	p1 =	slt.u32 s17, $0x2  }
0x12: {  	s21 =	smov.u32 s19;
	p2 =	sgt.s32 @!p1 s19, $0x3C;
	s20 =	sshra.s32 @!p1 s19, $0x1F  }
0x13: {  	p3 =	sgt.s32 @!p1 s18, $0x3F80;
	s22 =	sshra.s32 @!p1 s18, $0x1F;
	p2 =	por !p2, p1  }
0x14: {  	s19 =	sand.u32 @!p1 s20, s19;
	p3 =	por !p3, p1;
	s20 =	smov.u32 s18  }
0x15: {  	s18 =	sand.u32 @!p1 s22, s18;
	s21 =	simm.s32 @p2 $0x3C;
	s20 =	simm.s32 @p3 $0x3F80  }
0x16: {  	s22 =	smov.u32 s16;
	s19 =	ssub.s32 @!p1 s21, s19;
	s18 =	ssub.s32 @!p1 s20, s18  }
0x17: {  	s20 =	sadd.s32 @!p1 $0xFFFFFFC4, s19;
	s19 =	ssub.s32 @!p1 $0x40, s19;
	s21 =	sadd.s32 @!p1 $0xFFFFC080, s18  }
0x18: {  	p2 =	sgt.s32 @!p1 s20, $0x3;
	s19 =	smul.u32 @!p1 $0x1A, s19;
	p3 =	sgt.s32 @!p1 s21, $0x7F  }
0x19: {  	s18 =	ssub.s32 @!p1 $0x4000, s18;
	p2 =	por !p2, p1;
	p3 =	por !p3, p1  }
0x1a: {  	s20 =	sadd.s32 $0x100, s15;
	s19 =	simm.s32 @!p2 $0x0;
	s18 =	simm.s32 @!p3 $0x0  }
0x1b: {  	p2 =	sgt.s32 s20, $0x3FFF;
	s18 =	smul.u32 @!p1 s18, s19;
	s19 =	sadd.s32 $0x40, s16  }
0x1c: {  	s22 =	smov.u32 @p2 s19  }
0x1d: {  	s20 =	smov.u32 @p2 s5;
	p2 =	sgt.s32 s22, $0x3F  }
0x1e: {  	s22 =	smov.u32 @p2 s3;
	p2 =	sne.s32 s17, s11  }
.Ltmp1:
0x1f: {  	p0 =	por !p0, !p0;
	s21 =	simm.s32 @!p1 $0x2;
	(pc) =	sbr.rel @!p2 .LBB1_8-.Ltmp1, $4  }
0x20: {  	s19 =	smov.u32 s14;
	s14 =	smov.u32 s16;
	s18 =	sand.u32 @!p1 $0x3FFFFFFE, s18  }
0x21: {  	_ =	swait.ge @!p1 [sflag:s21], s18;
	s23 =	ssub.s32 @!p1 $0x0, s18;
	s18 =	smov.u32 s13  }
0x22: {  	s17 =	sadd.s32 $0x1, s17;
	s13 =	smov.u32 s15;
	[sflag:s21] =	ssyncset.done @!p1 $0x0  }
0x23: {  	s15 =	smov.u32 s20;
	s16 =	smov.u32 s22;
	[sflag:s21] =	ssyncadd.s32 @!p1 s23  }
.LBB1_1:
0x24: {  	p1 =	sge.u32 s17, s7  }
0x25: {  	s20 =	sxor.u32 @!p1 $0xFFFFFFFF, s17  }
0x26: {  	s21 =	sshll.u32 @!p1 s16, $0x12;
	s22 =	sshll.u32 @!p1 s15, $0x4;
	s24 =	simm.s32 @!p1 $0x20  }
0x27: {  	s20 =	sshll.u32 @!p1 s20, $0xE;
	s22 =	sand.u32 @!p1 $0x3FFF0, s22;
	s23 =	sadd.s32 @!p1 s4, s21  }
0x28: {  	s25 =	simm.s32 @!p1 $0x80;
	s20 =	sand.u32 @!p1 $0x4000, s20;
	s23 =	sadd.s32 @!p1 s22, s23  }
0x29: {  	[tilespmem:s20], [sflag:$0x1] =	stream.strided.gather @!p1 [hbm4b:s23+s24], $0x1000, s25, s24, $0x38;
	[tilespmem:$0x10100] =	vst v63  }
0x2a: {  	s23 =	sadd.s32 @!p1 s21, s8  }
0x2b: {  	s26 =	sor.u32 @!p1 $0x1000, s20;
	s23 =	sadd.s32 @!p1 s22, s23  }
0x2c: {  	[tilespmem:s26], [sflag:$0x1] =	stream.strided.gather @!p1 [hbm4b:s23+s24], $0x1000, s25, s24, $0x38;
	[tilespmem:$0x10100] =	vst v63  }
0x2d: {  	s23 =	sadd.s32 @!p1 s21, s9  }
0x2e: {  	s26 =	sor.u32 @!p1 $0x2000, s20;
	s21 =	sadd.s32 @!p1 s21, s10;
	s23 =	sadd.s32 @!p1 s22, s23  }
0x2f: {  	[tilespmem:s26], [sflag:$0x1] =	stream.strided.gather @!p1 [hbm4b:s23+s24], $0x1000, s25, s24, $0x38;
	[tilespmem:$0x10100] =	vst v63  }
0x30: {  	s31 =	sadd.s32 $0xFFFFFFFF, s17;
	s20 =	sor.u32 @!p1 $0x3000, s20;
	s21 =	sadd.s32 @!p1 s22, s21  }
0x31: {  	[tilespmem:s20], [sflag:$0x1] =	stream.strided.gather @!p1 [hbm4b:s21+s24], $0x1000, s25, s24, $0x38;
	[tilespmem:$0x10100] =	vst v63  }
0x32: {  	p1 =	sge.u32 s31, s7  }
.Ltmp2:
0x33: {  	_ = 	snop;
	(pc) =	sbr.rel @p1 .LBB1_7-.Ltmp2, $1  }
0x34: {  	_ =	sdelay $0x3  }
0x35: {  	s20 =	simm.s32 $0x1;
	s22 =	sand.u32 $0x1, s17  }
0x36: {  	_ =	swait.ge [sflag:s6], $0x4000;
	s20 =	simm.s32 @!p0 $0x0;
	s23 =	smul.u32 $0x10200, s22  }
0x37: {  	[sflag:s6] =	ssyncset.done $0x0;
	s21 =	smul.u32 $0x10200, s20  }
0x38: {  	s20 =	sshll.u32 s20, $0xE;
	[sflag:s6] =	ssyncadd.s32 $0xFFFFC000  }
0x39: {  	s22 =	sor.u32 $0x10, s20;
	s31 =	sshrl.u32 s23, $0x2;
	s21 =	sshrl.u32 s21, $0x2  }
0x3a: {  	s23 =	simm.s32 $0x0;
	s20 =	sor.u32 $0x8000, s31;
	s21 =	sor.u32 $0x8000, s21  }
.LBB1_3:
0x3b: {  	v1 =	vld [tilespmem:s22+$0x0]  }
0x3c: {  	v0 =	vld [tilespmem:s22+$0xFFFFFFF0];
	_ =	sdelay $0x2  }
0x3d: {  	s26 =	sadd.s32 $0x0, s21  }
0x3e: {  	s24 =	simm.s32 $0x4;
	s25 =	sadd.s32 $0x20, s22;
	[tilespmem:s26+$0x2040 ss:$0x204] =	vst.msk $0xffff, v1  }
.LBB1_4:
0x3f: {  	v1 =	vld [tilespmem:s25+$0x0];
	p1 =	sne.s32 s24, $0x1FC;
	[tilespmem:s26+$0x0 ss:$0x204] =	vst.msk $0xffff, v0;
	s26 =	smov.u32 s24;
	s24 =	sadd.s32 $0x4, s24  }
.Ltmp3:
0x40: {  	v0 =	vld [tilespmem:s25+$0xFFFFFFF0];
	(pc) =	sbr.rel @p1 .LBB1_4-.Ltmp3, $4  }
0x41: {  	_ = 	snop  }
0x42: {  	s26 =	sshra.s32 s26, $0x2  }
0x43: {  	s26 =	sadd.s32 s26, s21  }
0x44: {  	s25 =	sadd.s32 $0x20, s25;
	[tilespmem:s26+$0x2040 ss:$0x204] =	vst.msk $0xffff, v1  }
0x45: {  	s23 =	sadd.s32 $0x1, s23  }
0x46: {  	p1 =	sne.s32 s23, $0x4  }
.Ltmp4:
0x47: {  	_ = 	snop;
	(pc) =	sbr.rel @p1 .LBB1_3-.Ltmp4, $2  }
0x48: {  	_ =	sdelay $0x2  }
0x49: {  	[tilespmem:s26+$0x0 ss:$0x204] =	vst.msk $0xffff, v0;
	s21 =	sadd.s32 $0x81, s21;
	s22 =	sadd.s32 $0x1000, s22  }
0x4a: {  	s21 =	sand.u32 $0x78, s13;
	p1 =	sgt.s32 s14, $0x3C;
	s22 =	smov.u32 s14  }
0x4b: {  	s23 =	sshra.s32 s14, $0x1F;
	s24 =	sshll.u32 s14, $0xE;
	s25 =	sshll.u32 s13, $0x3  }
0x4c: {  	s30 =	sshra.s32 s13, $0x1F;
	s27 =	sshll.u32 s14, $0x7;
	s22 =	simm.s32 @!p1 $0x3C  }
0x4d: {  	s23 =	sand.u32 s23, s14;
	s24 =	sand.u32 $0xE0000, s24;
	p1 =	sgt.s32 s13, $0x3F80  }
0x4e: {  	s27 =	sand.u32 $0x380, s27;
	s22 =	ssub.s32 s22, s23;
	s23 =	smov.u32 s13  }
0x4f: {  	s24 =	sadd.s32 s24, s25;
	s26 =	sadd.s32 $0xFFFFFFC4, s22;
	s23 =	simm.s32 @!p1 $0x3F80  }
0x50: {  	s22 =	ssub.s32 $0x40, s22;
	p1 =	sgt.s32 s26, $0x3;
	s26 =	sand.u32 s30, s13  }
0x51: {  	s25 =	sand.u32 $0x3C00, s25;
	s22 =	smul.u32 $0x1A, s22;
	s23 =	ssub.s32 s23, s26  }
0x52: {  	s21 =	sor.u32 s27, s21;
	s24 =	sand.u32 $0xFC000, s24;
	s26 =	sadd.s32 $0xFFFFC080, s23  }
0x53: {  	s22 =	simm.s32 @p1 $0x0;
	s23 =	ssub.s32 $0x4000, s23;
	p1 =	sgt.s32 s26, $0x7F  }
.Ltmp5:
0x54: {  	s21 =	sor.u32 s25, s21;
	s23 =	simm.s32 @p1 $0x0;
	(pc) =	sbr.rel .LBB1_7-.Ltmp5, $4  }
0x55: {  	s31 =	sand.u32 $0x7, s13;
	s21 =	sor.u32 s24, s21;
	s22 =	smul.u32 s23, s22  }
0x56: {  	s21 =	sshrl.u32 s21, $0x3;
	s23 =	sshll.u32 s31, $0x12  }
0x57: {  	s21 =	sadd.s32 s2, s21;
	s23 =	sor.u32 $0x200, s23;
	s22 =	sand.u32 $0x3FFFFFFE, s22  }
0x58: {  	[hbm4b:s21+s23] =	stream.strided.scatter [tilespmem:s20], [sflag:$0x2], s22, s12, s23, $0x20;
	[tilespmem:$0x10100] =	vst v63  }
.LBB1_8:
0x59: {  	_ =	sfence.sel $0x180000  }
0x5a: {  	s2 =	simm.s32 $0x1;
	[bflag:$0x0] =	sbarrier.arrive $0xFFFF  }
0x5b: {  	s31 =	simm.s32 $0x2;
	[sflag:s2] =	ssyncpa.u1 $0x1  }
0x5c: {  	[sflag:s31] =	ssyncpa.u1 $0x1  }
0x5d: {  	p0 =	sne.s32 s1, $0x0;
	_ =	strace $0x9000004D  }
0x5e: {  	s0 =	sadd.s32 @!p0 $0x100000, s0;
	[bflag:$0x2] =	sbarrier.arrive $0xFFFF  }
0x5f: {  	[sflag:s0] =	ssyncadd.tile.s32 @!p0 $0x1;
	_ =	shalt  }
.Lfunc_end1:
_tile_overlayer_lowered:
.L_overlay_start_2:
0x60: {  	(tag) =	ssettag $0x2  }
0x61: {  	s0 =	rddreg [dreg:$0x0];
	s2 =	stileid.u32  }
0x62: {  	s1 =	rddreg [dreg:$0x1];
	p0 =	sne.s32 s2, $0x0  }
0x63: {  	s3 =	rddreg [dreg:$0x2];
	[bflag:$0x3] =	sbarrier.arrive $0xFFFF;
	s2 =	simm.s32 @!p0 $0x1C01  }
0x64: {  	[timem:s3], [sflag:s2] =	dma.local @!p0 [hbm:s0], s1  }
0x65: {  	s0 =	simm.s32 @!p0 $0x1  }
0x66: {  	_ =	swait.ge @!p0 [sflag:s0], s1  }
0x67: {  	s1 =	ssub.s32 @!p0 $0x0, s1;
	[sflag:s0] =	ssyncset.done @!p0 $0x0  }
0x68: {  	[sflag:s0] =	ssyncadd.s32 @!p0 s1  }
0x69: {  	[bflag:$0x3] =	sbarrier.arrive $0xFFFF  }
0x6a: {  	_ =	shalt  }

</sc_bundles>
